<compile_context>
chip_gen: v7x
topology: tpu7x:2x2x1
jax: 0.10.2.dev20260603
libtpu: 0.0.44.dev20260713+nightly
codegen_flags: <defaults>
</compile_context>

<pallas_src>
import functools

import jax
import jax.numpy as jnp
from jax import lax
from jax.experimental import pallas as pl
from jax.experimental.pallas import tpu as pltpu
from jax.experimental.pallas import tpu_sc as plsc

MAX_SEQ = 8192
ATTR = 8
EDIMS = 256

_NC = 2
_NS = 16
_NW = _NC * _NS
_NUNIQ = MAX_SEQ // ATTR
_U = _NUNIQ // _NW
_XCHUNK = MAX_SEQ // _NW


def _build():
    mesh = plsc.VectorSubcoreMesh(core_axis_name="c", subcore_axis_name="s")

    @functools.partial(
        pl.kernel,
        mesh=mesh,
        out_type=jax.ShapeDtypeStruct((_NUNIQ, ATTR, EDIMS), jnp.float32),
        scratch_types=[
            pltpu.VMEM((_U,), jnp.int32),
            pltpu.VMEM((_U, EDIMS), jnp.float32),
            pltpu.SemaphoreType.DMA,
        ],
    )
    def k(x_hbm, table_hbm, out_hbm, uidx_v, rows_v, sem):
        wid = lax.axis_index("s") * _NC + lax.axis_index("c")
        idx_cps = [
            pltpu.async_copy(
                x_hbm.at[jnp.arange(16, dtype=jnp.int32) * ATTR
                         + wid * _XCHUNK + i * 16 * ATTR],
                uidx_v.at[pl.ds(i * 16, 16)], sem)
            for i in range(_U // 16)
        ]
        for cp in idx_cps:
            cp.wait()
        pltpu.async_copy(table_hbm.at[uidx_v], rows_v, sem).wait()
        out_cps = [
            pltpu.async_copy(rows_v, out_hbm.at[pl.ds(wid * _U, _U), r], sem)
            for r in range(ATTR)
        ]
        for cp in out_cps:
            cp.wait()

    return k


def kernel(x, E_object_index):
    x = x.astype(jnp.int32)
    out3 = _build()(x, E_object_index)
    return out3.reshape(MAX_SEQ, EDIMS)

# --- scband reference (transcript-rebuilt; emitter-appended) ---
"""Pipeline reference for scband-object-index-encoding-61856118997303 (READ-ONLY COPY).

The authoritative reference and input builder live on the scoring server;
editing this copy changes nothing except your own understanding.
"""

import jax, jax.numpy as jnp
import numpy as np

MAX_SEQ = 8192
OBJ_MAX = 100000
ATTR = 8
EDIMS = 256


def setup_inputs(seed: int = 0) -> dict:
    key = jax.random.key(seed)
    k1, k2 = jax.random.split(key)
    x = jax.random.randint(k1, (MAX_SEQ,), 0, OBJ_MAX, dtype=jnp.int64 if jax.config.jax_enable_x64 else jnp.int32)
    E_object_index = jax.random.normal(k2, (OBJ_MAX, EDIMS), dtype=jnp.float32)
    return {"x": x, "E_object_index": E_object_index}


def reference(x, E_object_index):
    # Original loop: every ATTR-th token defines the current 'type'; each
    # position idx receives E_object_index[type]. Equivalently:
    #   type_idx[i] = x[(i // ATTR) * ATTR]
    # len(x) == MAX_SEQ, so the whole sequence buffer is filled (no zero rows).
    pos = jnp.arange(MAX_SEQ)
    type_idx = x[(pos // ATTR) * ATTR]
    sequence = jnp.take(E_object_index, type_idx, axis=0)
    return sequence

if __name__ == "__main__":
    import jax
    _d = setup_inputs()
    print(jax.jit(kernel)(*tuple(_d.values())))

</pallas_src>

<mosaic_0001>
#map = affine_map<(d0, d1) -> (0)>
#map1 = affine_map<(d0, d1) -> (0, 0)>
#map2 = affine_map<(d0, d1) -> (0, 0, 0)>
module attributes {stable_mosaic.version = 14 : i64} {
  func.func @k(%arg0: i32, %arg1: i32, %arg2: memref<8192xi32, #tpu.memory_space<hbm>>, %arg3: memref<100000x256xf32, #tpu.memory_space<hbm>>, %arg4: memref<1024x8x256xf32, #tpu.memory_space<hbm>>, %arg5: memref<32xi32, #tpu.memory_space<vmem>>, %arg6: memref<32x256xf32, #tpu.memory_space<vmem>>, %arg7: memref<!tpu.dma_semaphore, #tpu.memory_space<semaphore_mem>>) attributes {dimension_semantics = [#tpu.dimension_semantics<core_parallel>, #tpu.dimension_semantics<subcore_parallel>], iteration_bounds = array<i64: 2, 16>, scalar_prefetch = 0 : i64, scratch_operands = 3 : i64, tpu.core_type = #tpu.core_type<sc_vector_subcore>, window_params = [{transform_indices = #map}, {transform_indices = #map1}, {transform_indices = #map2}]} {
    %mul3A = arith.constant 2 : i32
    %mul3A_0 = arith.muli %arg1, %mul3A : i32
    %add3A = arith.addi %mul3A_0, %arg0 : i32
    %iota3A = tpu.iota {dimensions = array<i32: 0>} : vector<16xi32>
    %mul3A_1 = arith.constant 8 : i32
    %mul3A_2 = vector.broadcast %mul3A_1 : i32 to vector<16xi32>
    %mul3A_3 = arith.muli %iota3A, %mul3A_2 : vector<16xi32>
    %mul3A_4 = arith.constant 256 : i32
    %mul3A_5 = arith.muli %add3A, %mul3A_4 : i32
    %add3A_6 = vector.broadcast %mul3A_5 : i32 to vector<16xi32>
    %add3A_7 = arith.addi %mul3A_3, %add3A_6 : vector<16xi32>
    %add3A_8 = arith.constant 0 : i32
    %add3A_9 = vector.broadcast %add3A_8 : i32 to vector<16xi32>
    %add3A_10 = arith.addi %add3A_7, %add3A_9 : vector<16xi32>
    %dma_start3A = arith.constant 0 : i32
    %dma_start3A_11 = tpu.memref_slice %arg5[%dma_start3A] : memref<32xi32, #tpu.memory_space<vmem>> -> memref<16xi32, #tpu.memory_space<vmem>>
    %dma_start3A_12 = arith.constant 0 : i32
    %dma_start3A_13 = tpu.memref_slice %arg2[%dma_start3A_12] : memref<8192xi32, #tpu.memory_space<hbm>> -> memref<8192xi32, #tpu.memory_space<hbm>>
    tpu.enqueue_indirect_dma source(%dma_start3A_13 : memref<8192xi32, #tpu.memory_space<hbm>>) target(%dma_start3A_11 : memref<16xi32, #tpu.memory_space<vmem>>) offsets(%add3A_10 : vector<16xi32>) semaphore(%arg7 : memref<!tpu.dma_semaphore, #tpu.memory_space<semaphore_mem>>)
    %iota3A_14 = tpu.iota {dimensions = array<i32: 0>} : vector<16xi32>
    %mul3A_15 = arith.constant 8 : i32
    %mul3A_16 = vector.broadcast %mul3A_15 : i32 to vector<16xi32>
    %mul3A_17 = arith.muli %iota3A_14, %mul3A_16 : vector<16xi32>
    %mul3A_18 = arith.constant 256 : i32
    %mul3A_19 = arith.muli %add3A, %mul3A_18 : i32
    %add3A_20 = vector.broadcast %mul3A_19 : i32 to vector<16xi32>
    %add3A_21 = arith.addi %mul3A_17, %add3A_20 : vector<16xi32>
    %add3A_22 = arith.constant 128 : i32
    %add3A_23 = vector.broadcast %add3A_22 : i32 to vector<16xi32>
    %add3A_24 = arith.addi %add3A_21, %add3A_23 : vector<16xi32>
    %dma_start3A_25 = arith.constant 16 : i32
    %dma_start3A_26 = tpu.memref_slice %arg5[%dma_start3A_25] : memref<32xi32, #tpu.memory_space<vmem>> -> memref<16xi32, #tpu.memory_space<vmem>>
    %dma_start3A_27 = arith.constant 0 : i32
    %dma_start3A_28 = tpu.memref_slice %arg2[%dma_start3A_27] : memref<8192xi32, #tpu.memory_space<hbm>> -> memref<8192xi32, #tpu.memory_space<hbm>>
    tpu.enqueue_indirect_dma source(%dma_start3A_28 : memref<8192xi32, #tpu.memory_space<hbm>>) target(%dma_start3A_26 : memref<16xi32, #tpu.memory_space<vmem>>) offsets(%add3A_24 : vector<16xi32>) semaphore(%arg7 : memref<!tpu.dma_semaphore, #tpu.memory_space<semaphore_mem>>)
    %dma_wait3A = arith.constant 0 : i32
    %dma_wait3A_29 = tpu.memref_slice %arg5[%dma_wait3A] : memref<32xi32, #tpu.memory_space<vmem>> -> memref<16xi32, #tpu.memory_space<vmem>>
    %dma_wait3A_30 = arith.constant 0 : i32
    %dma_wait3A_31 = tpu.memref_slice %arg2[%dma_wait3A_30] : memref<8192xi32, #tpu.memory_space<hbm>> -> memref<8192xi32, #tpu.memory_space<hbm>>
    tpu.wait_indirect_dma semaphore(%arg7 : memref<!tpu.dma_semaphore, #tpu.memory_space<semaphore_mem>>) src(%dma_wait3A_31 : memref<8192xi32, #tpu.memory_space<hbm>>) dst(%dma_wait3A_29 : memref<16xi32, #tpu.memory_space<vmem>>)
    %dma_wait3A_32 = arith.constant 16 : i32
    %dma_wait3A_33 = tpu.memref_slice %arg5[%dma_wait3A_32] : memref<32xi32, #tpu.memory_space<vmem>> -> memref<16xi32, #tpu.memory_space<vmem>>
    %dma_wait3A_34 = arith.constant 0 : i32
    %dma_wait3A_35 = tpu.memref_slice %arg2[%dma_wait3A_34] : memref<8192xi32, #tpu.memory_space<hbm>> -> memref<8192xi32, #tpu.memory_space<hbm>>
    tpu.wait_indirect_dma semaphore(%arg7 : memref<!tpu.dma_semaphore, #tpu.memory_space<semaphore_mem>>) src(%dma_wait3A_35 : memref<8192xi32, #tpu.memory_space<hbm>>) dst(%dma_wait3A_33 : memref<16xi32, #tpu.memory_space<vmem>>)
    %dma_start3A_36 = arith.constant 0 : i32
    %dma_start3A_37 = arith.constant 0 : i32
    %dma_start3A_38 = tpu.memref_slice %arg3[%dma_start3A_36, %dma_start3A_37] : memref<100000x256xf32, #tpu.memory_space<hbm>> -> memref<100000x256xf32, #tpu.memory_space<hbm>>
    tpu.enqueue_indirect_dma source(%dma_start3A_38 : memref<100000x256xf32, #tpu.memory_space<hbm>>) target(%arg6 : memref<32x256xf32, #tpu.memory_space<vmem>>) offsets(%arg5 : memref<32xi32, #tpu.memory_space<vmem>>) semaphore(%arg7 : memref<!tpu.dma_semaphore, #tpu.memory_space<semaphore_mem>>)
    %dma_wait3A_39 = arith.constant 0 : i32
    %dma_wait3A_40 = arith.constant 0 : i32
    %dma_wait3A_41 = tpu.memref_slice %arg3[%dma_wait3A_39, %dma_wait3A_40] : memref<100000x256xf32, #tpu.memory_space<hbm>> -> memref<100000x256xf32, #tpu.memory_space<hbm>>
    tpu.wait_indirect_dma semaphore(%arg7 : memref<!tpu.dma_semaphore, #tpu.memory_space<semaphore_mem>>) src(%dma_wait3A_41 : memref<100000x256xf32, #tpu.memory_space<hbm>>) dst(%arg6 : memref<32x256xf32, #tpu.memory_space<vmem>>)
    %mul3A_42 = arith.constant 32 : i32
    %mul3A_43 = arith.muli %add3A, %mul3A_42 : i32
    %dma_start3A_44 = arith.constant 0 : i32
    %dma_start3A_45 = arith.constant 0 : i32
    %dma_start3A_46 = tpu.memref_slice %arg4[%mul3A_43, %dma_start3A_44, %dma_start3A_45] : memref<1024x8x256xf32, #tpu.memory_space<hbm>> -> memref<32x1x256xf32, #tpu.memory_space<hbm>>
    %dma_start3A_47 = tpu.memref_squeeze %dma_start3A_46 : memref<32x1x256xf32, #tpu.memory_space<hbm>> -> memref<32x256xf32, #tpu.memory_space<hbm>>
    %dma_start3A_48 = arith.constant 0 : i32
    %dma_start3A_49 = tpu.memref_slice %arg4[%mul3A_43, %dma_start3A_44, %dma_start3A_48] : memref<1024x8x256xf32, #tpu.memory_space<hbm>> -> memref<32x1x256xf32, #tpu.memory_space<hbm>>
    %dma_start3A_50 = tpu.memref_squeeze %dma_start3A_49 : memref<32x1x256xf32, #tpu.memory_space<hbm>> -> memref<32x256xf32, #tpu.memory_space<hbm>>
    tpu.enqueue_dma source(%arg6 : memref<32x256xf32, #tpu.memory_space<vmem>>) target(%dma_start3A_50 : memref<32x256xf32, #tpu.memory_space<hbm>>) target_semaphore(%arg7 : memref<!tpu.dma_semaphore, #tpu.memory_space<semaphore_mem>>)
    %mul3A_51 = arith.constant 32 : i32
    %mul3A_52 = arith.muli %add3A, %mul3A_51 : i32
    %dma_start3A_53 = arith.constant 1 : i32
    %dma_start3A_54 = arith.constant 0 : i32
    %dma_start3A_55 = tpu.memref_slice %arg4[%mul3A_52, %dma_start3A_53, %dma_start3A_54] : memref<1024x8x256xf32, #tpu.memory_space<hbm>> -> memref<32x1x256xf32, #tpu.memory_space<hbm>>
    %dma_start3A_56 = tpu.memref_squeeze %dma_start3A_55 : memref<32x1x256xf32, #tpu.memory_space<hbm>> -> memref<32x256xf32, #tpu.memory_space<hbm>>
    %dma_start3A_57 = arith.constant 0 : i32
    %dma_start3A_58 = tpu.memref_slice %arg4[%mul3A_52, %dma_start3A_53, %dma_start3A_57] : memref<1024x8x256xf32, #tpu.memory_space<hbm>> -> memref<32x1x256xf32, #tpu.memory_space<hbm>>
    %dma_start3A_59 = tpu.memref_squeeze %dma_start3A_58 : memref<32x1x256xf32, #tpu.memory_space<hbm>> -> memref<32x256xf32, #tpu.memory_space<hbm>>
    tpu.enqueue_dma source(%arg6 : memref<32x256xf32, #tpu.memory_space<vmem>>) target(%dma_start3A_59 : memref<32x256xf32, #tpu.memory_space<hbm>>) target_semaphore(%arg7 : memref<!tpu.dma_semaphore, #tpu.memory_space<semaphore_mem>>)
    %mul3A_60 = arith.constant 32 : i32
    %mul3A_61 = arith.muli %add3A, %mul3A_60 : i32
    %dma_start3A_62 = arith.constant 2 : i32
    %dma_start3A_63 = arith.constant 0 : i32
    %dma_start3A_64 = tpu.memref_slice %arg4[%mul3A_61, %dma_start3A_62, %dma_start3A_63] : memref<1024x8x256xf32, #tpu.memory_space<hbm>> -> memref<32x1x256xf32, #tpu.memory_space<hbm>>
    %dma_start3A_65 = tpu.memref_squeeze %dma_start3A_64 : memref<32x1x256xf32, #tpu.memory_space<hbm>> -> memref<32x256xf32, #tpu.memory_space<hbm>>
    %dma_start3A_66 = arith.constant 0 : i32
    %dma_start3A_67 = tpu.memref_slice %arg4[%mul3A_61, %dma_start3A_62, %dma_start3A_66] : memref<1024x8x256xf32, #tpu.memory_space<hbm>> -> memref<32x1x256xf32, #tpu.memory_space<hbm>>
    %dma_start3A_68 = tpu.memref_squeeze %dma_start3A_67 : memref<32x1x256xf32, #tpu.memory_space<hbm>> -> memref<32x256xf32, #tpu.memory_space<hbm>>
    tpu.enqueue_dma source(%arg6 : memref<32x256xf32, #tpu.memory_space<vmem>>) target(%dma_start3A_68 : memref<32x256xf32, #tpu.memory_space<hbm>>) target_semaphore(%arg7 : memref<!tpu.dma_semaphore, #tpu.memory_space<semaphore_mem>>)
    %mul3A_69 = arith.constant 32 : i32
    %mul3A_70 = arith.muli %add3A, %mul3A_69 : i32
    %dma_start3A_71 = arith.constant 3 : i32
    %dma_start3A_72 = arith.constant 0 : i32
    %dma_start3A_73 = tpu.memref_slice %arg4[%mul3A_70, %dma_start3A_71, %dma_start3A_72] : memref<1024x8x256xf32, #tpu.memory_space<hbm>> -> memref<32x1x256xf32, #tpu.memory_space<hbm>>
    %dma_start3A_74 = tpu.memref_squeeze %dma_start3A_73 : memref<32x1x256xf32, #tpu.memory_space<hbm>> -> memref<32x256xf32, #tpu.memory_space<hbm>>
    %dma_start3A_75 = arith.constant 0 : i32
    %dma_start3A_76 = tpu.memref_slice %arg4[%mul3A_70, %dma_start3A_71, %dma_start3A_75] : memref<1024x8x256xf32, #tpu.memory_space<hbm>> -> memref<32x1x256xf32, #tpu.memory_space<hbm>>
    %dma_start3A_77 = tpu.memref_squeeze %dma_start3A_76 : memref<32x1x256xf32, #tpu.memory_space<hbm>> -> memref<32x256xf32, #tpu.memory_space<hbm>>
    tpu.enqueue_dma source(%arg6 : memref<32x256xf32, #tpu.memory_space<vmem>>) target(%dma_start3A_77 : memref<32x256xf32, #tpu.memory_space<hbm>>) target_semaphore(%arg7 : memref<!tpu.dma_semaphore, #tpu.memory_space<semaphore_mem>>)
    %mul3A_78 = arith.constant 32 : i32
    %mul3A_79 = arith.muli %add3A, %mul3A_78 : i32
    %dma_start3A_80 = arith.constant 4 : i32
    %dma_start3A_81 = arith.constant 0 : i32
    %dma_start3A_82 = tpu.memref_slice %arg4[%mul3A_79, %dma_start3A_80, %dma_start3A_81] : memref<1024x8x256xf32, #tpu.memory_space<hbm>> -> memref<32x1x256xf32, #tpu.memory_space<hbm>>
    %dma_start3A_83 = tpu.memref_squeeze %dma_start3A_82 : memref<32x1x256xf32, #tpu.memory_space<hbm>> -> memref<32x256xf32, #tpu.memory_space<hbm>>
    %dma_start3A_84 = arith.constant 0 : i32
    %dma_start3A_85 = tpu.memref_slice %arg4[%mul3A_79, %dma_start3A_80, %dma_start3A_84] : memref<1024x8x256xf32, #tpu.memory_space<hbm>> -> memref<32x1x256xf32, #tpu.memory_space<hbm>>
    %dma_start3A_86 = tpu.memref_squeeze %dma_start3A_85 : memref<32x1x256xf32, #tpu.memory_space<hbm>> -> memref<32x256xf32, #tpu.memory_space<hbm>>
    tpu.enqueue_dma source(%arg6 : memref<32x256xf32, #tpu.memory_space<vmem>>) target(%dma_start3A_86 : memref<32x256xf32, #tpu.memory_space<hbm>>) target_semaphore(%arg7 : memref<!tpu.dma_semaphore, #tpu.memory_space<semaphore_mem>>)
    %mul3A_87 = arith.constant 32 : i32
    %mul3A_88 = arith.muli %add3A, %mul3A_87 : i32
    %dma_start3A_89 = arith.constant 5 : i32
    %dma_start3A_90 = arith.constant 0 : i32
    %dma_start3A_91 = tpu.memref_slice %arg4[%mul3A_88, %dma_start3A_89, %dma_start3A_90] : memref<1024x8x256xf32, #tpu.memory_space<hbm>> -> memref<32x1x256xf32, #tpu.memory_space<hbm>>
    %dma_start3A_92 = tpu.memref_squeeze %dma_start3A_91 : memref<32x1x256xf32, #tpu.memory_space<hbm>> -> memref<32x256xf32, #tpu.memory_space<hbm>>
    %dma_start3A_93 = arith.constant 0 : i32
    %dma_start3A_94 = tpu.memref_slice %arg4[%mul3A_88, %dma_start3A_89, %dma_start3A_93] : memref<1024x8x256xf32, #tpu.memory_space<hbm>> -> memref<32x1x256xf32, #tpu.memory_space<hbm>>
    %dma_start3A_95 = tpu.memref_squeeze %dma_start3A_94 : memref<32x1x256xf32, #tpu.memory_space<hbm>> -> memref<32x256xf32, #tpu.memory_space<hbm>>
    tpu.enqueue_dma source(%arg6 : memref<32x256xf32, #tpu.memory_space<vmem>>) target(%dma_start3A_95 : memref<32x256xf32, #tpu.memory_space<hbm>>) target_semaphore(%arg7 : memref<!tpu.dma_semaphore, #tpu.memory_space<semaphore_mem>>)
    %mul3A_96 = arith.constant 32 : i32
    %mul3A_97 = arith.muli %add3A, %mul3A_96 : i32
    %dma_start3A_98 = arith.constant 6 : i32
    %dma_start3A_99 = arith.constant 0 : i32
    %dma_start3A_100 = tpu.memref_slice %arg4[%mul3A_97, %dma_start3A_98, %dma_start3A_99] : memref<1024x8x256xf32, #tpu.memory_space<hbm>> -> memref<32x1x256xf32, #tpu.memory_space<hbm>>
    %dma_start3A_101 = tpu.memref_squeeze %dma_start3A_100 : memref<32x1x256xf32, #tpu.memory_space<hbm>> -> memref<32x256xf32, #tpu.memory_space<hbm>>
    %dma_start3A_102 = arith.constant 0 : i32
    %dma_start3A_103 = tpu.memref_slice %arg4[%mul3A_97, %dma_start3A_98, %dma_start3A_102] : memref<1024x8x256xf32, #tpu.memory_space<hbm>> -> memref<32x1x256xf32, #tpu.memory_space<hbm>>
    %dma_start3A_104 = tpu.memref_squeeze %dma_start3A_103 : memref<32x1x256xf32, #tpu.memory_space<hbm>> -> memref<32x256xf32, #tpu.memory_space<hbm>>
    tpu.enqueue_dma source(%arg6 : memref<32x256xf32, #tpu.memory_space<vmem>>) target(%dma_start3A_104 : memref<32x256xf32, #tpu.memory_space<hbm>>) target_semaphore(%arg7 : memref<!tpu.dma_semaphore, #tpu.memory_space<semaphore_mem>>)
    %mul3A_105 = arith.constant 32 : i32
    %mul3A_106 = arith.muli %add3A, %mul3A_105 : i32
    %dma_start3A_107 = arith.constant 7 : i32
    %dma_start3A_108 = arith.constant 0 : i32
    %dma_start3A_109 = tpu.memref_slice %arg4[%mul3A_106, %dma_start3A_107, %dma_start3A_108] : memref<1024x8x256xf32, #tpu.memory_space<hbm>> -> memref<32x1x256xf32, #tpu.memory_space<hbm>>
    %dma_start3A_110 = tpu.memref_squeeze %dma_start3A_109 : memref<32x1x256xf32, #tpu.memory_space<hbm>> -> memref<32x256xf32, #tpu.memory_space<hbm>>
    %dma_start3A_111 = arith.constant 0 : i32
    %dma_start3A_112 = tpu.memref_slice %arg4[%mul3A_106, %dma_start3A_107, %dma_start3A_111] : memref<1024x8x256xf32, #tpu.memory_space<hbm>> -> memref<32x1x256xf32, #tpu.memory_space<hbm>>
    %dma_start3A_113 = tpu.memref_squeeze %dma_start3A_112 : memref<32x1x256xf32, #tpu.memory_space<hbm>> -> memref<32x256xf32, #tpu.memory_space<hbm>>
    tpu.enqueue_dma source(%arg6 : memref<32x256xf32, #tpu.memory_space<vmem>>) target(%dma_start3A_113 : memref<32x256xf32, #tpu.memory_space<hbm>>) target_semaphore(%arg7 : memref<!tpu.dma_semaphore, #tpu.memory_space<semaphore_mem>>)
    %dma_wait3A_114 = arith.constant 0 : i32
    %dma_wait3A_115 = arith.constant 0 : i32
    %dma_wait3A_116 = tpu.memref_slice %arg4[%mul3A_43, %dma_wait3A_114, %dma_wait3A_115] : memref<1024x8x256xf32, #tpu.memory_space<hbm>> -> memref<32x1x256xf32, #tpu.memory_space<hbm>>
    %dma_wait3A_117 = tpu.memref_squeeze %dma_wait3A_116 : memref<32x1x256xf32, #tpu.memory_space<hbm>> -> memref<32x256xf32, #tpu.memory_space<hbm>>
    %dma_wait3A_118 = arith.constant 0 : i32
    %dma_wait3A_119 = tpu.memref_slice %arg4[%mul3A_43, %dma_wait3A_114, %dma_wait3A_118] : memref<1024x8x256xf32, #tpu.memory_space<hbm>> -> memref<32x1x256xf32, #tpu.memory_space<hbm>>
    %dma_wait3A_120 = tpu.memref_squeeze %dma_wait3A_119 : memref<32x1x256xf32, #tpu.memory_space<hbm>> -> memref<32x256xf32, #tpu.memory_space<hbm>>
    tpu.wait_dma2 semaphore(%arg7 : memref<!tpu.dma_semaphore, #tpu.memory_space<semaphore_mem>>) src(%arg6 : memref<32x256xf32, #tpu.memory_space<vmem>>) dst(%dma_wait3A_120 : memref<32x256xf32, #tpu.memory_space<hbm>>)
    %dma_wait3A_121 = arith.constant 1 : i32
    %dma_wait3A_122 = arith.constant 0 : i32
    %dma_wait3A_123 = tpu.memref_slice %arg4[%mul3A_52, %dma_wait3A_121, %dma_wait3A_122] : memref<1024x8x256xf32, #tpu.memory_space<hbm>> -> memref<32x1x256xf32, #tpu.memory_space<hbm>>
    %dma_wait3A_124 = tpu.memref_squeeze %dma_wait3A_123 : memref<32x1x256xf32, #tpu.memory_space<hbm>> -> memref<32x256xf32, #tpu.memory_space<hbm>>
    %dma_wait3A_125 = arith.constant 0 : i32
    %dma_wait3A_126 = tpu.memref_slice %arg4[%mul3A_52, %dma_wait3A_121, %dma_wait3A_125] : memref<1024x8x256xf32, #tpu.memory_space<hbm>> -> memref<32x1x256xf32, #tpu.memory_space<hbm>>
    %dma_wait3A_127 = tpu.memref_squeeze %dma_wait3A_126 : memref<32x1x256xf32, #tpu.memory_space<hbm>> -> memref<32x256xf32, #tpu.memory_space<hbm>>
    tpu.wait_dma2 semaphore(%arg7 : memref<!tpu.dma_semaphore, #tpu.memory_space<semaphore_mem>>) src(%arg6 : memref<32x256xf32, #tpu.memory_space<vmem>>) dst(%dma_wait3A_127 : memref<32x256xf32, #tpu.memory_space<hbm>>)
    %dma_wait3A_128 = arith.constant 2 : i32
    %dma_wait3A_129 = arith.constant 0 : i32
    %dma_wait3A_130 = tpu.memref_slice %arg4[%mul3A_61, %dma_wait3A_128, %dma_wait3A_129] : memref<1024x8x256xf32, #tpu.memory_space<hbm>> -> memref<32x1x256xf32, #tpu.memory_space<hbm>>
    %dma_wait3A_131 = tpu.memref_squeeze %dma_wait3A_130 : memref<32x1x256xf32, #tpu.memory_space<hbm>> -> memref<32x256xf32, #tpu.memory_space<hbm>>
    %dma_wait3A_132 = arith.constant 0 : i32
    %dma_wait3A_133 = tpu.memref_slice %arg4[%mul3A_61, %dma_wait3A_128, %dma_wait3A_132] : memref<1024x8x256xf32, #tpu.memory_space<hbm>> -> memref<32x1x256xf32, #tpu.memory_space<hbm>>
    %dma_wait3A_134 = tpu.memref_squeeze %dma_wait3A_133 : memref<32x1x256xf32, #tpu.memory_space<hbm>> -> memref<32x256xf32, #tpu.memory_space<hbm>>
    tpu.wait_dma2 semaphore(%arg7 : memref<!tpu.dma_semaphore, #tpu.memory_space<semaphore_mem>>) src(%arg6 : memref<32x256xf32, #tpu.memory_space<vmem>>) dst(%dma_wait3A_134 : memref<32x256xf32, #tpu.memory_space<hbm>>)
    %dma_wait3A_135 = arith.constant 3 : i32
    %dma_wait3A_136 = arith.constant 0 : i32
    %dma_wait3A_137 = tpu.memref_slice %arg4[%mul3A_70, %dma_wait3A_135, %dma_wait3A_136] : memref<1024x8x256xf32, #tpu.memory_space<hbm>> -> memref<32x1x256xf32, #tpu.memory_space<hbm>>
    %dma_wait3A_138 = tpu.memref_squeeze %dma_wait3A_137 : memref<32x1x256xf32, #tpu.memory_space<hbm>> -> memref<32x256xf32, #tpu.memory_space<hbm>>
    %dma_wait3A_139 = arith.constant 0 : i32
    %dma_wait3A_140 = tpu.memref_slice %arg4[%mul3A_70, %dma_wait3A_135, %dma_wait3A_139] : memref<1024x8x256xf32, #tpu.memory_space<hbm>> -> memref<32x1x256xf32, #tpu.memory_space<hbm>>
    %dma_wait3A_141 = tpu.memref_squeeze %dma_wait3A_140 : memref<32x1x256xf32, #tpu.memory_space<hbm>> -> memref<32x256xf32, #tpu.memory_space<hbm>>
    tpu.wait_dma2 semaphore(%arg7 : memref<!tpu.dma_semaphore, #tpu.memory_space<semaphore_mem>>) src(%arg6 : memref<32x256xf32, #tpu.memory_space<vmem>>) dst(%dma_wait3A_141 : memref<32x256xf32, #tpu.memory_space<hbm>>)
    %dma_wait3A_142 = arith.constant 4 : i32
    %dma_wait3A_143 = arith.constant 0 : i32
    %dma_wait3A_144 = tpu.memref_slice %arg4[%mul3A_79, %dma_wait3A_142, %dma_wait3A_143] : memref<1024x8x256xf32, #tpu.memory_space<hbm>> -> memref<32x1x256xf32, #tpu.memory_space<hbm>>
    %dma_wait3A_145 = tpu.memref_squeeze %dma_wait3A_144 : memref<32x1x256xf32, #tpu.memory_space<hbm>> -> memref<32x256xf32, #tpu.memory_space<hbm>>
    %dma_wait3A_146 = arith.constant 0 : i32
    %dma_wait3A_147 = tpu.memref_slice %arg4[%mul3A_79, %dma_wait3A_142, %dma_wait3A_146] : memref<1024x8x256xf32, #tpu.memory_space<hbm>> -> memref<32x1x256xf32, #tpu.memory_space<hbm>>
    %dma_wait3A_148 = tpu.memref_squeeze %dma_wait3A_147 : memref<32x1x256xf32, #tpu.memory_space<hbm>> -> memref<32x256xf32, #tpu.memory_space<hbm>>
    tpu.wait_dma2 semaphore(%arg7 : memref<!tpu.dma_semaphore, #tpu.memory_space<semaphore_mem>>) src(%arg6 : memref<32x256xf32, #tpu.memory_space<vmem>>) dst(%dma_wait3A_148 : memref<32x256xf32, #tpu.memory_space<hbm>>)
    %dma_wait3A_149 = arith.constant 5 : i32
    %dma_wait3A_150 = arith.constant 0 : i32
    %dma_wait3A_151 = tpu.memref_slice %arg4[%mul3A_88, %dma_wait3A_149, %dma_wait3A_150] : memref<1024x8x256xf32, #tpu.memory_space<hbm>> -> memref<32x1x256xf32, #tpu.memory_space<hbm>>
    %dma_wait3A_152 = tpu.memref_squeeze %dma_wait3A_151 : memref<32x1x256xf32, #tpu.memory_space<hbm>> -> memref<32x256xf32, #tpu.memory_space<hbm>>
    %dma_wait3A_153 = arith.constant 0 : i32
    %dma_wait3A_154 = tpu.memref_slice %arg4[%mul3A_88, %dma_wait3A_149, %dma_wait3A_153] : memref<1024x8x256xf32, #tpu.memory_space<hbm>> -> memref<32x1x256xf32, #tpu.memory_space<hbm>>
    %dma_wait3A_155 = tpu.memref_squeeze %dma_wait3A_154 : memref<32x1x256xf32, #tpu.memory_space<hbm>> -> memref<32x256xf32, #tpu.memory_space<hbm>>
    tpu.wait_dma2 semaphore(%arg7 : memref<!tpu.dma_semaphore, #tpu.memory_space<semaphore_mem>>) src(%arg6 : memref<32x256xf32, #tpu.memory_space<vmem>>) dst(%dma_wait3A_155 : memref<32x256xf32, #tpu.memory_space<hbm>>)
    %dma_wait3A_156 = arith.constant 6 : i32
    %dma_wait3A_157 = arith.constant 0 : i32
    %dma_wait3A_158 = tpu.memref_slice %arg4[%mul3A_97, %dma_wait3A_156, %dma_wait3A_157] : memref<1024x8x256xf32, #tpu.memory_space<hbm>> -> memref<32x1x256xf32, #tpu.memory_space<hbm>>
    %dma_wait3A_159 = tpu.memref_squeeze %dma_wait3A_158 : memref<32x1x256xf32, #tpu.memory_space<hbm>> -> memref<32x256xf32, #tpu.memory_space<hbm>>
    %dma_wait3A_160 = arith.constant 0 : i32
    %dma_wait3A_161 = tpu.memref_slice %arg4[%mul3A_97, %dma_wait3A_156, %dma_wait3A_160] : memref<1024x8x256xf32, #tpu.memory_space<hbm>> -> memref<32x1x256xf32, #tpu.memory_space<hbm>>
    %dma_wait3A_162 = tpu.memref_squeeze %dma_wait3A_161 : memref<32x1x256xf32, #tpu.memory_space<hbm>> -> memref<32x256xf32, #tpu.memory_space<hbm>>
    tpu.wait_dma2 semaphore(%arg7 : memref<!tpu.dma_semaphore, #tpu.memory_space<semaphore_mem>>) src(%arg6 : memref<32x256xf32, #tpu.memory_space<vmem>>) dst(%dma_wait3A_162 : memref<32x256xf32, #tpu.memory_space<hbm>>)
    %dma_wait3A_163 = arith.constant 7 : i32
    %dma_wait3A_164 = arith.constant 0 : i32
    %dma_wait3A_165 = tpu.memref_slice %arg4[%mul3A_106, %dma_wait3A_163, %dma_wait3A_164] : memref<1024x8x256xf32, #tpu.memory_space<hbm>> -> memref<32x1x256xf32, #tpu.memory_space<hbm>>
    %dma_wait3A_166 = tpu.memref_squeeze %dma_wait3A_165 : memref<32x1x256xf32, #tpu.memory_space<hbm>> -> memref<32x256xf32, #tpu.memory_space<hbm>>
    %dma_wait3A_167 = arith.constant 0 : i32
    %dma_wait3A_168 = tpu.memref_slice %arg4[%mul3A_106, %dma_wait3A_163, %dma_wait3A_167] : memref<1024x8x256xf32, #tpu.memory_space<hbm>> -> memref<32x1x256xf32, #tpu.memory_space<hbm>>
    %dma_wait3A_169 = tpu.memref_squeeze %dma_wait3A_168 : memref<32x1x256xf32, #tpu.memory_space<hbm>> -> memref<32x256xf32, #tpu.memory_space<hbm>>
    tpu.wait_dma2 semaphore(%arg7 : memref<!tpu.dma_semaphore, #tpu.memory_space<semaphore_mem>>) src(%arg6 : memref<32x256xf32, #tpu.memory_space<vmem>>) dst(%dma_wait3A_169 : memref<32x256xf32, #tpu.memory_space<hbm>>)
    return
  }
}

</mosaic_0001>

<sc_bundles>
// kernel: kernel.3.cloned.1.call-start
scs
__scs_entry_jumppad:
0x0: {  	(pc) =	sbr.rel $0x88, $3  }
0x1: {  	(tag) =	ssettag $0x0;
	lr =	simm.s32 $0x1  }
0x2: {  	[smem:$0x3F9F] =	sst lr;
	_ =	strace $0xD0000000  }
0x3: {  	_ = 	snop  }
0x4: {  	_ = 	snop  }
0x5: {  	_ = 	snop  }
0x6: {  	_ = 	snop  }
0x7: {  	_ = 	snop  }
__scs_overlays_trampoline_lowered:
0x8: {  	[smem:$0x3FAE] =	sst s0  }
0x9: {  	[smem:$0x3FAF] =	sst s1  }
0xa: {  	[smem:$0x3FB0] =	sst s2  }
0xb: {  	[smem:$0x3FB1] =	sst s3  }
0xc: {  	[smem:$0x3FB2] =	sst s4  }
0xd: {  	[smem:$0x3FB3] =	sst s5  }
0xe: {  	[smem:$0x3FB4] =	sst s6  }
0xf: {  	[smem:$0x3FB5] =	sst s7  }
0x10: {  	[smem:$0x3FB6] =	sst s8  }
0x11: {  	[smem:$0x3FB7] =	sst s9;
	s0 =	simm.s32 @!p0 $0x0  }
0x12: {  	s1 =	sld [smem:$0x3F9D];
	s0 =	simm.s32 @p0 $0x1  }
0x13: {  	[smem:$0x3FB8] =	sst s0;
	s0 =	simm.s32 @!p1 $0x0  }
0x14: {  	s2 =	sld [smem:$0x3F9C];
	s0 =	simm.s32 @p1 $0x1  }
0x15: {  	[smem:$0x3FB9] =	sst s0;
	s0 =	simm.s32 @!p2 $0x0  }
0x16: {  	s3 =	sld [smem:$0x3FDB];
	s0 =	simm.s32 @p2 $0x1  }
0x17: {  	s4 =	simm.s32 $0x1BF5;
	[smem:$0x3FBB] =	sst s0  }
0x18: {  	s0 =	sld [smem:$0x3F9E];
	_ =	swait.ge [sflag:s4], $0x0  }
0x19: {  	s7 =	sld [smem:$0x3F9F]  }
0x1a: {  	s8 =	sadd.s32 $0xFFFFE003, lr  }
0x1b: {  	s9 =	sadd.s32 $0xFFFFFEF7, lr;
	s5 =	simm.s32 $0xFFFFFFFF;
	p2 =	slt.u32 s8, $0xFFFFF086  }
0x1c: {  	p1 =	slt.u32 s9, $0xF7A;
	s5 =	simm.s32 @!p2 $0x0  }
0x1d: {  	s5 =	simm.s32 @p1 $0x1;
	p0 =	seq.s32 s7, s2  }
0x1e: {  	s7 =	smul.u32 @!p0 $0xF7A, s2;
	p2 =	seq.s32 @!p0 s5, $0x0  }
0x1f: {  	s9 =	smul.u32 $0xF7A, s1;
	s8 =	simm.s32 @!p0 $0x1BF5;
	p2 =	por !p2, p0  }
0x20: {  	[sflag:s8] =	ssyncset.s32 @!p0 $0xFFFFF086;
	s6 =	sadd.s32 @!p0 s3, s7;
	s7 =	simm.s32 @!p0 $0x108  }
0x21: {  	s3 =	sadd.s32 s3, s9;
	s6 =	sadd.s32 @!p0 $0x88, s6;
	s7 =	simm.s32 @p2 $0x1082  }
0x22: {  	[simem:s7], [sflag:s8] =	dma.local @!p0 [hbm:s6], $0xF7A  }
0x23: {  	s9 =	sor.u32 $0xD0000000, s2;
	s6 =	simm.s32 $0x108;
	_ =	swait.ge @!p0 [sflag:s8], $0x0  }
0x24: {  	s3 =	sadd.s32 $0x88, s3;
	s6 =	simm.s32 @!p1 $0x1082;
	[sflag:s4] =	ssyncset.s32 $0xFFFFF086  }
0x25: {  	[simem:s6], [sflag:s4] =	dma.local [hbm:s3], $0xF7A  }
0x26: {  	[smem:$0x3F9F] =	sst s1;
	(tag) =	ssettag s2;
	_ =	strace s9  }
0x27: {  	s1 =	sld [smem:$0x3FAF]  }
0x28: {  	s2 =	sld [smem:$0x3FB0]  }
0x29: {  	s4 =	sld [smem:$0x3FB2]  }
0x2a: {  	p0 =	seq.s32 s5, $0x0;
	s5 =	sld [smem:$0x3FB3]  }
0x2b: {  	s6 =	sld [smem:$0x3FB4]  }
0x2c: {  	s7 =	sld [smem:$0x3FB5]  }
0x2d: {  	s3 =	simm.s32 $0x108;
	s8 =	sld [smem:$0x3FB6]  }
0x2e: {  	s3 =	simm.s32 @!p0 $0x1082;
	s9 =	sld [smem:$0x3FB7]  }
0x2f: {  	lr =	sadd.s32 s0, s3;
	s0 =	sld [smem:$0x3FAE]  }
0x30: {  	s3 =	sld [smem:$0x3FB1]  }
0x31: {  	[smem:$0x3FBA] =	sst s10  }
0x32: {  	s10 =	sld [smem:$0x3FB8];
	_ =	sdelay $0x3  }
0x33: {  	p0 =	seq.s32 s10, $0x1;
	s10 =	sld [smem:$0x3FBA];
	_ =	sdelay $0x3  }
0x34: {  	[smem:$0x3FBA] =	sst s10  }
0x35: {  	s10 =	sld [smem:$0x3FB9];
	_ =	sdelay $0x3  }
0x36: {  	p1 =	seq.s32 s10, $0x1;
	s10 =	sld [smem:$0x3FBA];
	_ =	sdelay $0x3  }
0x37: {  	[smem:$0x3FBA] =	sst s10  }
0x38: {  	s10 =	sld [smem:$0x3FBB]  }
0x39: {  	_ = 	snop;
	(pc) =	sbr.ind lr, $3  }
0x3a: {  	_ = 	snop  }
0x3b: {  	_ = 	snop  }
0x3c: {  	p2 =	seq.s32 s10, $0x1;
	s10 =	sld [smem:$0x3FBA]  }
0x3d: {  	_ =	shalt  }
0x3e: {  	_ =	shalt  }
0x3f: {  	_ =	shalt  }
0x40: {  	_ =	shalt  }
0x41: {  	_ =	shalt  }
0x42: {  	_ =	shalt  }
0x43: {  	_ =	shalt  }
0x44: {  	_ =	shalt  }
0x45: {  	_ =	shalt  }
0x46: {  	_ =	shalt  }
0x47: {  	_ =	shalt  }
0x48: {  	_ =	shalt  }
0x49: {  	_ =	shalt  }
0x4a: {  	_ =	shalt  }
0x4b: {  	_ =	shalt  }
0x4c: {  	_ =	shalt  }
0x4d: {  	_ =	shalt  }
0x4e: {  	_ =	shalt  }
0x4f: {  	_ =	shalt  }
0x50: {  	_ =	shalt  }
0x51: {  	_ =	shalt  }
0x52: {  	_ =	shalt  }
0x53: {  	_ =	shalt  }
0x54: {  	_ =	shalt  }
0x55: {  	_ =	shalt  }
0x56: {  	_ =	shalt  }
0x57: {  	_ =	shalt  }
0x58: {  	_ =	shalt  }
0x59: {  	_ =	shalt  }
0x5a: {  	_ =	shalt  }
0x5b: {  	_ =	shalt  }
0x5c: {  	_ =	shalt  }
0x5d: {  	_ =	shalt  }
0x5e: {  	_ =	shalt  }
0x5f: {  	_ =	shalt  }
0x60: {  	_ =	shalt  }
0x61: {  	_ =	shalt  }
0x62: {  	_ =	shalt  }
0x63: {  	_ =	shalt  }
0x64: {  	_ =	shalt  }
0x65: {  	_ =	shalt  }
0x66: {  	_ =	shalt  }
0x67: {  	_ =	shalt  }
0x68: {  	_ =	shalt  }
0x69: {  	_ =	shalt  }
0x6a: {  	_ =	shalt  }
0x6b: {  	_ =	shalt  }
0x6c: {  	_ =	shalt  }
0x6d: {  	_ =	shalt  }
0x6e: {  	_ =	shalt  }
0x6f: {  	_ =	shalt  }
0x70: {  	_ =	shalt  }
0x71: {  	_ =	shalt  }
0x72: {  	_ =	shalt  }
0x73: {  	_ =	shalt  }
0x74: {  	_ =	shalt  }
0x75: {  	_ =	shalt  }
0x76: {  	_ =	shalt  }
0x77: {  	_ =	shalt  }
0x78: {  	_ =	shalt  }
0x79: {  	_ =	shalt  }
0x7a: {  	_ =	shalt  }
0x7b: {  	_ =	shalt  }
0x7c: {  	_ =	shalt  }
0x7d: {  	_ =	shalt  }
0x7e: {  	_ =	shalt  }
0x7f: {  	_ =	shalt  }
0x80: {  	_ =	shalt  }
0x81: {  	_ =	shalt  }
0x82: {  	_ =	shalt  }
0x83: {  	_ =	shalt  }
0x84: {  	_ =	shalt  }
0x85: {  	_ =	shalt  }
0x86: {  	_ =	shalt  }
0x87: {  	_ =	shalt  }
.Lfunc_end0:
.L_simem_size_0:
called_computation_lowered:
.L_overlay_start_0:
0x88: {  	s2 =	sld [smem:$0x3FD9]  }
0x89: {  	s3 =	sld [smem:$0x3FFE];
	_ =	sdelay $0x1  }
0x8a: {  	s1 =	srdreg.scid  }
0x8b: {  	s0 =	sand.u32 $0x1, s1  }
0x8c: {  	s18 =	sshll.u32 s0, $0xA;
	s2 =	sadd.s32 s3, s2  }
0x8d: {  	s2 =	sadd.s32 s2, s18  }
0x8e: {  	[smem:$0x3FC6] =	sst s2  }
0x8f: {  	_ = 	snop  }
0x90: {  	s2 =	sld [smem:$0x3FC9]  }
0x91: {  	s19 =	sld [smem:$0x3FC8]  }
0x92: {  	s4 =	sld [smem:$0x3FD0];
	(tm) =	ssettm $0x1  }
0x93: {  	s5 =	sld [smem:$0x3FFB];
	_ =	sdelay $0x3  }
0x94: {  	_ =	strace s5  }
0x95: {  	s5 =	sld [smem:$0x3FFC];
	_ =	sdelay $0x3  }
0x96: {  	_ =	strace s5  }
0x97: {  	s5 =	sld [smem:$0x3FFD];
	_ =	sdelay $0x3  }
0x98: {  	_ =	strace s5  }
0x99: {  	_ =	strace $0x8FFFFFFF  }
0x9a: {  	s20 =	sld [smem:$0x3FDB];
	_ =	sdelay $0x1  }
0x9b: {  	s6 =	simm.s32 $_scs_section_size  }
0x9c: {  	s7 =	simm.s32 $_size__tile_overlayer_lowered;
	s8 =	simm.s32 $_tile_overlayer_lowered  }
0x9d: {  	s23 =	simm.s32 $0x1BFF;
	s22 =	sshll.u32 s8, $0x1;
	s5 =	sadd.s32 s6, s20  }
0x9e: {  	s9 =	simm.s32 $0x0;
	s21 =	sshll.u32 s7, $0x1;
	s7 =	sadd.s32 s22, s5  }
0x9f: {  	[timem:s9], [sflag:s23] =	dma.local [hbm:s7], s21  }
0xa0: {  	_ =	swait.ge [sflag:s23], s21  }
0xa1: {  	s6 =	ssub.s32 $0x0, s21;
	[sflag:s23] =	ssyncset.done $0x0  }
0xa2: {  	[sflag:s23] =	ssyncadd.s32 s6;
	_ =	sdelay $0x1  }
0xa3: {  	s24 =	simm.s32 $0x1B8B  }
0xa4: {  	_ =	swait.ge [sflag:s24], $0x1  }
0xa5: {  	[sflag:s24] =	ssyncset.done $0x0  }
0xa6: {  	s25 =	simm.s32 $0x1B8E;
	[sflag:s24] =	ssyncadd.s32 $0xFFFFFFFF  }
0xa7: {  	s26 =	simm.s32 $execute0_lowered;
	[smem:$0x3FD2] =	sst s25  }
0xa8: {  	s6 =	sshll.u32 s26, $0x1;
	_ =	strace $0x80000046;
	[dreg:$0x1] =	wrdreg $0xFFFFFFFF  }
0xa9: {  	s28 =	simm.s32 $_size_execute0_lowered;
	s5 =	sadd.s32 s5, s6;
	[dreg:$0x0] =	wrdreg $0x0  }
0xaa: {  	s6 =	sshll.u32 s28, $0x1;
	[dreg:$0x2] =	wrdreg s5  }
0xab: {  	[dreg:$0x3] =	wrdreg s6  }
0xac: {  	[dreg:$0x4] =	wrdreg $0xC0  }
0xad: {  	_ =	task [dreg:s9], $0x5FFFF  }
0xae: {  	[dreg:$0x1] =	wrdreg $0xFFFFFFFF  }
0xaf: {  	[dreg:$0x0] =	wrdreg $0x60  }
0xb0: {  	[dreg:$0x2] =	wrdreg s2  }
0xb1: {  	[dreg:$0x3] =	wrdreg s19  }
0xb2: {  	[dreg:$0x4] =	wrdreg s4  }
0xb3: {  	[dreg:$0x5] =	wrdreg $0x9  }
0xb4: {  	_ =	task.clear_ibuf [dreg:s9], $0x6FFFF;
	_ =	strace $0x90000046  }
0xb5: {  	s29 =	simm.s32 $0x9;
	_ =	strace $0x80000048  }
0xb6: {  	_ =	swait.ge [sflag:s29], $0x1  }
0xb7: {  	[sflag:s29] =	ssyncadd.s32 $0xFFFFFFFF  }
0xb8: {  	_ =	strace $0x90000048  }
0xb9: {  	_ =	sfence  }
0xba: {  	s30 =	sld [smem:$0x0];
	_ =	sdelay $0x2  }
0xbb: {  	s31 =	sshll.u32 s1, $0xD;
	s1 =	sshrl.u32 s1, $0x2  }
0xbc: {  	s3 =	sand.u32 $0x4000, s31;
	s1 =	sadd.s32 s1, s30  }
0xbd: {  	s0 =	sor.u32 s3, s0;
	s1 =	sshll.u32 s1, $0x11  }
0xbe: {  	s0 =	sor.u32 s1, s0  }
0xbf: {  	s0 =	sadd.s32 $0x8F2B, s0  }
0xc0: {  	[sflag:s0] =	ssyncadd.remote.s32 $0x1  }
0xc1: {  	_ =	sfence.sel $0xFFFF  }
0xc2: {  	[dreg:$0x0] =	wrdreg $0xFFFFFFFF;
	(pc) =	sbr.abs _section_cstart, $3  }
0xc3: {  	[dreg:$0x1] =	wrdreg $0xFFFFFFFF  }
0xc4: {  	_ =	task.clear_ibuf [dreg:s9], $0x2FFFF;
	_ =	strace $0x9FFFFFFF  }
0xc5: {  	(tm) =	ssettm $0x7FFFFFFF  }
tec
execute0_lowered:
.L_overlay_start_1:
0x0: {  	(tag) =	ssettag $0x1  }
0x1: {  	s1 =	rddreg [dreg:$0x0]  }
0x2: {  	s3 =	rddreg [dreg:$0x1]  }
0x3: {  	s5 =	rddreg [dreg:$0x2]  }
0x4: {  	s0 =	rddreg [dreg:$0x3]  }
0x5: {  	s6 =	srdreg.scid;
	s2 =	stileid.u32  }
0x6: {  	s4 =	simm.s32 $0x0;
	s14 =	simm.s32 $0x10;
	s15 =	simm.s32 $0x80  }
0x7: {  	s16 =	simm.s32 $0x880;
	s17 =	simm.s32 $0x1080;
	s18 =	simm.s32 $0x1880  }
0x8: {  	s23 =	simm.s32 $0x1C80;
	s6 =	sand.u32 $0x1, s6;
	s7 =	sshll.u32 s2, $0x1  }
0x9: {  	[smem:$0x7FF] =	sst s4;
	s8 =	ssub.s32 $0x2, s6;
	s6 =	sor.u32 s6, s7  }
0xa: {  	_ =	strace $0x80000047;
	[dreg:$0x4] =	wrdreg s14;
	s9 =	sshll.u32 s6, $0xD  }
0xb: {  	s14 =	simm.s32 $0x1;
	s29 =	sshrl.u32 s8, $0x1;
	s5 =	sadd.s32 s5, s9  }
0xc: {  	v4 =	vlaneseq.u32;
	s21 =	sshll.u32 s6, $0x8;
	s13 =	ssub.s32 s8, s29;
	s6 =	sadd.s32 $0x10, s5  }
0xd: {  	v1 =	vmul.u32 $0x8, v4;
	s7 =	sadd.s32 $0x20, s5;
	s8 =	sadd.s32 $0x30, s5;
	s9 =	sadd.s32 $0x40, s5  }
0xe: {  	s10 =	sadd.s32 $0x50, s5;
	s11 =	sadd.s32 $0x60, s5;
	s19 =	sadd.s32 $0x80, s5  }
0xf: {  	v0 =	vor.u32 s21, v1;
	s12 =	sadd.s32 $0x70, s5;
	s20 =	sadd.s32 $0x800, s5;
	[dreg:$0x5] =	wrdreg s19  }
0x10: {  	v1 =	vor.u32 $0x80, v1;
	s13 =	smax.u32 s13, $0x1;
	s22 =	sadd.s32 $0x880, s5;
	[dreg:$0x6] =	wrdreg s20  }
0x11: {  	s30 =	sadd.s32 $0x1000, s5;
	v1 =	vor.u32 s21, v1;
	s21 =	simm.s32 $0xC80;
	[dreg:$0x7] =	wrdreg s22  }
0x12: {  	vm0 =	vmmov $0xffff;
	v3 =	vshrl.u32 v4, $0x3;
	s31 =	sadd.s32 $0x1080, s5;
	s19 =	simm.s32 $0x800;
	[dreg:$0x8] =	wrdreg s30  }
0x13: {  	v2 =	vand.u32 $0x7, v4;
	v4 =	vor.u32 $0x8, v4;
	v3 =	vmul.u32 $0x8, v3;
	s20 =	simm.s32 $0x480;
	[dreg:$0x9] =	wrdreg s31;
	s22 =	simm.s32 $0x1480  }
.LBB2_1:
0x14: {  	[tilespmem:s4], [sflag:$0x1] =	stream.indirect_vreg.gather [hbm4b:s1+s4], $0x1, v0, vm0, $0xb8;
	[tilespmem:$0x2080] =	vst v63  }
0x15: {  	s24 =	rddreg [dreg:$0x4]  }
0x16: {  	[tilespmem:s24], [sflag:$0x1] =	stream.indirect_vreg.gather [hbm4b:s1+s4], $0x1, v1, vm0, $0xb8;
	[tilespmem:$0x2080] =	vst v63  }
0x17: {  	_ =	swait.ge [sflag:s14], $0x10  }
0x18: {  	[sflag:s14] =	ssyncset.done $0x0  }
0x19: {  	[sflag:s14] =	ssyncadd.s32 $0xFFFFFFF0  }
0x1a: {  	_ =	swait.ge [sflag:s14], $0x10  }
0x1b: {  	[sflag:s14] =	ssyncset.done $0x0  }
0x1c: {  	[sflag:s14] =	ssyncadd.s32 $0xFFFFFFF0  }
0x1d: {  	v5 =	vld [tilespmem:$0x0];
	_ =	sdelay $0x4  }
0x1e: {  	v6 =	vshll.u32 v5, $0x1  }
0x1f: {  	v5 =	vand.u32 $0x7, v5;
	v6 =	vand.u32 $0xFFFFFFF0, v6  }
0x20: {  	v5 =	vor.u32 v5, v6  }
0x21: {  	v6 =	vperm.xlane v5, v2;
	_ =	sdelay $0x1  }
0x22: {  	v5 =	vperm.xlane v5, v4;
	v6 =	vadd.s32 v3, v6;
	_ =	sdelay $0x1  }
0x23: {  	v5 =	vadd.s32 v3, v5;
	_ =	sdelay $0x2  }
0x24: {  	[tilespmem:s15], [sflag:$0x1] =	stream.indirect_vreg.gather [hbm4b:s3+s4], $0x80, v6, vm0, $0xb8;
	[tilespmem:$0x2080] =	vst v63  }
0x25: {  	_ = 	snop  }
0x26: {  	[tilespmem:s16], [sflag:$0x1] =	stream.indirect_vreg.gather [hbm4b:s3+s4], $0x80, v5, vm0, $0xb8;
	[tilespmem:$0x2080] =	vst v63  }
0x27: {  	v5 =	vld [tilespmem:$0x10];
	_ =	sdelay $0x4  }
0x28: {  	v6 =	vshll.u32 v5, $0x1  }
0x29: {  	v5 =	vand.u32 $0x7, v5;
	v6 =	vand.u32 $0xFFFFFFF0, v6  }
0x2a: {  	v5 =	vor.u32 v5, v6  }
0x2b: {  	v6 =	vperm.xlane v5, v2;
	_ =	sdelay $0x1  }
0x2c: {  	v5 =	vperm.xlane v5, v4;
	v6 =	vadd.s32 v3, v6;
	_ =	sdelay $0x1  }
0x2d: {  	v5 =	vadd.s32 v3, v5;
	_ =	sdelay $0x2  }
0x2e: {  	[tilespmem:s17], [sflag:$0x1] =	stream.indirect_vreg.gather [hbm4b:s3+s4], $0x80, v6, vm0, $0xb8;
	[tilespmem:$0x2080] =	vst v63  }
0x2f: {  	_ = 	snop  }
0x30: {  	[tilespmem:s18], [sflag:$0x1] =	stream.indirect_vreg.gather [hbm4b:s3+s4], $0x80, v5, vm0, $0xb8;
	[tilespmem:$0x2080] =	vst v63  }
0x31: {  	_ =	swait.ge [sflag:s14], $0x2000  }
0x32: {  	[sflag:s14] =	ssyncset.done $0x0  }
0x33: {  	[sflag:s14] =	ssyncadd.s32 $0xFFFFE000  }
0x34: {  	[hbm4b:s5+s15] =	stream.strided.scatter [tilespmem:s15], [sflag:$0x1], $0x400, s19, s15, $0x38;
	[tilespmem:$0x2080] =	vst v63  }
0x35: {  	s30 =	rddreg [dreg:$0x5]  }
0x36: {  	[hbm4b:s30+s15] =	stream.strided.scatter [tilespmem:s20], [sflag:$0x1], $0x400, s19, s15, $0x38;
	[tilespmem:$0x2080] =	vst v63  }
0x37: {  	s25 =	rddreg [dreg:$0x6]  }
0x38: {  	[hbm4b:s25+s15] =	stream.strided.scatter [tilespmem:s16], [sflag:$0x1], $0x400, s19, s15, $0x38;
	[tilespmem:$0x2080] =	vst v63  }
0x39: {  	s31 =	rddreg [dreg:$0x7]  }
0x3a: {  	[hbm4b:s31+s15] =	stream.strided.scatter [tilespmem:s21], [sflag:$0x1], $0x400, s19, s15, $0x38;
	[tilespmem:$0x2080] =	vst v63  }
0x3b: {  	s26 =	rddreg [dreg:$0x8]  }
0x3c: {  	[hbm4b:s26+s15] =	stream.strided.scatter [tilespmem:s17], [sflag:$0x1], $0x400, s19, s15, $0x38;
	[tilespmem:$0x2080] =	vst v63  }
0x3d: {  	s28 =	rddreg [dreg:$0x9]  }
0x3e: {  	[hbm4b:s28+s15] =	stream.strided.scatter [tilespmem:s22], [sflag:$0x1], $0x400, s19, s15, $0x38;
	[tilespmem:$0x2080] =	vst v63  }
0x3f: {  	s29 =	sadd.s32 $0x1800, s5  }
0x40: {  	[hbm4b:s29+s15] =	stream.strided.scatter [tilespmem:s18], [sflag:$0x1], $0x400, s19, s15, $0x38;
	[tilespmem:$0x2080] =	vst v63  }
0x41: {  	s30 =	sadd.s32 $0x1880, s5  }
0x42: {  	[hbm4b:s30+s15] =	stream.strided.scatter [tilespmem:s23], [sflag:$0x1], $0x400, s19, s15, $0x38;
	[tilespmem:$0x2080] =	vst v63  }
0x43: {  	_ = 	snop  }
0x44: {  	[hbm4b:s6+s15] =	stream.strided.scatter [tilespmem:s15], [sflag:$0x1], $0x400, s19, s15, $0x38;
	[tilespmem:$0x2080] =	vst v63  }
0x45: {  	s31 =	sadd.s32 $0x80, s6  }
0x46: {  	[hbm4b:s31+s15] =	stream.strided.scatter [tilespmem:s20], [sflag:$0x1], $0x400, s19, s15, $0x38;
	[tilespmem:$0x2080] =	vst v63  }
0x47: {  	s25 =	sadd.s32 $0x800, s6  }
0x48: {  	[hbm4b:s25+s15] =	stream.strided.scatter [tilespmem:s16], [sflag:$0x1], $0x400, s19, s15, $0x38;
	[tilespmem:$0x2080] =	vst v63  }
0x49: {  	s26 =	sadd.s32 $0x880, s6  }
0x4a: {  	[hbm4b:s26+s15] =	stream.strided.scatter [tilespmem:s21], [sflag:$0x1], $0x400, s19, s15, $0x38;
	[tilespmem:$0x2080] =	vst v63  }
0x4b: {  	s28 =	sadd.s32 $0x1000, s6  }
0x4c: {  	[hbm4b:s28+s15] =	stream.strided.scatter [tilespmem:s17], [sflag:$0x1], $0x400, s19, s15, $0x38;
	[tilespmem:$0x2080] =	vst v63  }
0x4d: {  	s29 =	sadd.s32 $0x1080, s6  }
0x4e: {  	[hbm4b:s29+s15] =	stream.strided.scatter [tilespmem:s22], [sflag:$0x1], $0x400, s19, s15, $0x38;
	[tilespmem:$0x2080] =	vst v63  }
0x4f: {  	s30 =	sadd.s32 $0x1800, s6  }
0x50: {  	[hbm4b:s30+s15] =	stream.strided.scatter [tilespmem:s18], [sflag:$0x1], $0x400, s19, s15, $0x38;
	[tilespmem:$0x2080] =	vst v63  }
0x51: {  	s31 =	sadd.s32 $0x1880, s6  }
0x52: {  	[hbm4b:s31+s15] =	stream.strided.scatter [tilespmem:s23], [sflag:$0x1], $0x400, s19, s15, $0x38;
	[tilespmem:$0x2080] =	vst v63  }
0x53: {  	_ = 	snop  }
0x54: {  	[hbm4b:s7+s15] =	stream.strided.scatter [tilespmem:s15], [sflag:$0x1], $0x400, s19, s15, $0x38;
	[tilespmem:$0x2080] =	vst v63  }
0x55: {  	s25 =	sadd.s32 $0x80, s7  }
0x56: {  	[hbm4b:s25+s15] =	stream.strided.scatter [tilespmem:s20], [sflag:$0x1], $0x400, s19, s15, $0x38;
	[tilespmem:$0x2080] =	vst v63  }
0x57: {  	s26 =	sadd.s32 $0x800, s7  }
0x58: {  	[hbm4b:s26+s15] =	stream.strided.scatter [tilespmem:s16], [sflag:$0x1], $0x400, s19, s15, $0x38;
	[tilespmem:$0x2080] =	vst v63  }
0x59: {  	s28 =	sadd.s32 $0x880, s7  }
0x5a: {  	[hbm4b:s28+s15] =	stream.strided.scatter [tilespmem:s21], [sflag:$0x1], $0x400, s19, s15, $0x38;
	[tilespmem:$0x2080] =	vst v63  }
0x5b: {  	s29 =	sadd.s32 $0x1000, s7  }
0x5c: {  	[hbm4b:s29+s15] =	stream.strided.scatter [tilespmem:s17], [sflag:$0x1], $0x400, s19, s15, $0x38;
	[tilespmem:$0x2080] =	vst v63  }
0x5d: {  	s30 =	sadd.s32 $0x1080, s7  }
0x5e: {  	[hbm4b:s30+s15] =	stream.strided.scatter [tilespmem:s22], [sflag:$0x1], $0x400, s19, s15, $0x38;
	[tilespmem:$0x2080] =	vst v63  }
0x5f: {  	s31 =	sadd.s32 $0x1800, s7  }
0x60: {  	[hbm4b:s31+s15] =	stream.strided.scatter [tilespmem:s18], [sflag:$0x1], $0x400, s19, s15, $0x38;
	[tilespmem:$0x2080] =	vst v63  }
0x61: {  	s25 =	sadd.s32 $0x1880, s7  }
0x62: {  	[hbm4b:s25+s15] =	stream.strided.scatter [tilespmem:s23], [sflag:$0x1], $0x400, s19, s15, $0x38;
	[tilespmem:$0x2080] =	vst v63  }
0x63: {  	_ = 	snop  }
0x64: {  	[hbm4b:s8+s15] =	stream.strided.scatter [tilespmem:s15], [sflag:$0x1], $0x400, s19, s15, $0x38;
	[tilespmem:$0x2080] =	vst v63  }
0x65: {  	s26 =	sadd.s32 $0x80, s8  }
0x66: {  	[hbm4b:s26+s15] =	stream.strided.scatter [tilespmem:s20], [sflag:$0x1], $0x400, s19, s15, $0x38;
	[tilespmem:$0x2080] =	vst v63  }
0x67: {  	s28 =	sadd.s32 $0x800, s8  }
0x68: {  	[hbm4b:s28+s15] =	stream.strided.scatter [tilespmem:s16], [sflag:$0x1], $0x400, s19, s15, $0x38;
	[tilespmem:$0x2080] =	vst v63  }
0x69: {  	s29 =	sadd.s32 $0x880, s8  }
0x6a: {  	[hbm4b:s29+s15] =	stream.strided.scatter [tilespmem:s21], [sflag:$0x1], $0x400, s19, s15, $0x38;
	[tilespmem:$0x2080] =	vst v63  }
0x6b: {  	s30 =	sadd.s32 $0x1000, s8  }
0x6c: {  	[hbm4b:s30+s15] =	stream.strided.scatter [tilespmem:s17], [sflag:$0x1], $0x400, s19, s15, $0x38;
	[tilespmem:$0x2080] =	vst v63  }
0x6d: {  	s31 =	sadd.s32 $0x1080, s8  }
0x6e: {  	[hbm4b:s31+s15] =	stream.strided.scatter [tilespmem:s22], [sflag:$0x1], $0x400, s19, s15, $0x38;
	[tilespmem:$0x2080] =	vst v63  }
0x6f: {  	s25 =	sadd.s32 $0x1800, s8  }
0x70: {  	[hbm4b:s25+s15] =	stream.strided.scatter [tilespmem:s18], [sflag:$0x1], $0x400, s19, s15, $0x38;
	[tilespmem:$0x2080] =	vst v63  }
0x71: {  	s26 =	sadd.s32 $0x1880, s8  }
0x72: {  	[hbm4b:s26+s15] =	stream.strided.scatter [tilespmem:s23], [sflag:$0x1], $0x400, s19, s15, $0x38;
	[tilespmem:$0x2080] =	vst v63  }
0x73: {  	_ = 	snop  }
0x74: {  	[hbm4b:s9+s15] =	stream.strided.scatter [tilespmem:s15], [sflag:$0x1], $0x400, s19, s15, $0x38;
	[tilespmem:$0x2080] =	vst v63  }
0x75: {  	s28 =	sadd.s32 $0x80, s9  }
0x76: {  	[hbm4b:s28+s15] =	stream.strided.scatter [tilespmem:s20], [sflag:$0x1], $0x400, s19, s15, $0x38;
	[tilespmem:$0x2080] =	vst v63  }
0x77: {  	s29 =	sadd.s32 $0x800, s9  }
0x78: {  	[hbm4b:s29+s15] =	stream.strided.scatter [tilespmem:s16], [sflag:$0x1], $0x400, s19, s15, $0x38;
	[tilespmem:$0x2080] =	vst v63  }
0x79: {  	s30 =	sadd.s32 $0x880, s9  }
0x7a: {  	[hbm4b:s30+s15] =	stream.strided.scatter [tilespmem:s21], [sflag:$0x1], $0x400, s19, s15, $0x38;
	[tilespmem:$0x2080] =	vst v63  }
0x7b: {  	s31 =	sadd.s32 $0x1000, s9  }
0x7c: {  	[hbm4b:s31+s15] =	stream.strided.scatter [tilespmem:s17], [sflag:$0x1], $0x400, s19, s15, $0x38;
	[tilespmem:$0x2080] =	vst v63  }
0x7d: {  	s25 =	sadd.s32 $0x1080, s9  }
0x7e: {  	[hbm4b:s25+s15] =	stream.strided.scatter [tilespmem:s22], [sflag:$0x1], $0x400, s19, s15, $0x38;
	[tilespmem:$0x2080] =	vst v63  }
0x7f: {  	s26 =	sadd.s32 $0x1800, s9  }
0x80: {  	[hbm4b:s26+s15] =	stream.strided.scatter [tilespmem:s18], [sflag:$0x1], $0x400, s19, s15, $0x38;
	[tilespmem:$0x2080] =	vst v63  }
0x81: {  	s28 =	sadd.s32 $0x1880, s9  }
0x82: {  	[hbm4b:s28+s15] =	stream.strided.scatter [tilespmem:s23], [sflag:$0x1], $0x400, s19, s15, $0x38;
	[tilespmem:$0x2080] =	vst v63  }
0x83: {  	_ = 	snop  }
0x84: {  	[hbm4b:s10+s15] =	stream.strided.scatter [tilespmem:s15], [sflag:$0x1], $0x400, s19, s15, $0x38;
	[tilespmem:$0x2080] =	vst v63  }
0x85: {  	s29 =	sadd.s32 $0x80, s10  }
0x86: {  	[hbm4b:s29+s15] =	stream.strided.scatter [tilespmem:s20], [sflag:$0x1], $0x400, s19, s15, $0x38;
	[tilespmem:$0x2080] =	vst v63  }
0x87: {  	s30 =	sadd.s32 $0x800, s10  }
0x88: {  	[hbm4b:s30+s15] =	stream.strided.scatter [tilespmem:s16], [sflag:$0x1], $0x400, s19, s15, $0x38;
	[tilespmem:$0x2080] =	vst v63  }
0x89: {  	s31 =	sadd.s32 $0x880, s10  }
0x8a: {  	[hbm4b:s31+s15] =	stream.strided.scatter [tilespmem:s21], [sflag:$0x1], $0x400, s19, s15, $0x38;
	[tilespmem:$0x2080] =	vst v63  }
0x8b: {  	s25 =	sadd.s32 $0x1000, s10  }
0x8c: {  	[hbm4b:s25+s15] =	stream.strided.scatter [tilespmem:s17], [sflag:$0x1], $0x400, s19, s15, $0x38;
	[tilespmem:$0x2080] =	vst v63  }
0x8d: {  	s26 =	sadd.s32 $0x1080, s10  }
0x8e: {  	[hbm4b:s26+s15] =	stream.strided.scatter [tilespmem:s22], [sflag:$0x1], $0x400, s19, s15, $0x38;
	[tilespmem:$0x2080] =	vst v63  }
0x8f: {  	s28 =	sadd.s32 $0x1800, s10  }
0x90: {  	[hbm4b:s28+s15] =	stream.strided.scatter [tilespmem:s18], [sflag:$0x1], $0x400, s19, s15, $0x38;
	[tilespmem:$0x2080] =	vst v63  }
0x91: {  	s29 =	sadd.s32 $0x1880, s10  }
0x92: {  	[hbm4b:s29+s15] =	stream.strided.scatter [tilespmem:s23], [sflag:$0x1], $0x400, s19, s15, $0x38;
	[tilespmem:$0x2080] =	vst v63  }
0x93: {  	_ = 	snop  }
0x94: {  	[hbm4b:s11+s15] =	stream.strided.scatter [tilespmem:s15], [sflag:$0x1], $0x400, s19, s15, $0x38;
	[tilespmem:$0x2080] =	vst v63  }
0x95: {  	s30 =	sadd.s32 $0x80, s11  }
0x96: {  	[hbm4b:s30+s15] =	stream.strided.scatter [tilespmem:s20], [sflag:$0x1], $0x400, s19, s15, $0x38;
	[tilespmem:$0x2080] =	vst v63  }
0x97: {  	s31 =	sadd.s32 $0x800, s11  }
0x98: {  	[hbm4b:s31+s15] =	stream.strided.scatter [tilespmem:s16], [sflag:$0x1], $0x400, s19, s15, $0x38;
	[tilespmem:$0x2080] =	vst v63  }
0x99: {  	s25 =	sadd.s32 $0x880, s11  }
0x9a: {  	[hbm4b:s25+s15] =	stream.strided.scatter [tilespmem:s21], [sflag:$0x1], $0x400, s19, s15, $0x38;
	[tilespmem:$0x2080] =	vst v63  }
0x9b: {  	s26 =	sadd.s32 $0x1000, s11  }
0x9c: {  	[hbm4b:s26+s15] =	stream.strided.scatter [tilespmem:s17], [sflag:$0x1], $0x400, s19, s15, $0x38;
	[tilespmem:$0x2080] =	vst v63  }
0x9d: {  	s28 =	sadd.s32 $0x1080, s11  }
0x9e: {  	[hbm4b:s28+s15] =	stream.strided.scatter [tilespmem:s22], [sflag:$0x1], $0x400, s19, s15, $0x38;
	[tilespmem:$0x2080] =	vst v63  }
0x9f: {  	s29 =	sadd.s32 $0x1800, s11  }
0xa0: {  	[hbm4b:s29+s15] =	stream.strided.scatter [tilespmem:s18], [sflag:$0x1], $0x400, s19, s15, $0x38;
	[tilespmem:$0x2080] =	vst v63  }
0xa1: {  	s30 =	sadd.s32 $0x1880, s11  }
0xa2: {  	[hbm4b:s30+s15] =	stream.strided.scatter [tilespmem:s23], [sflag:$0x1], $0x400, s19, s15, $0x38;
	[tilespmem:$0x2080] =	vst v63  }
0xa3: {  	_ = 	snop  }
0xa4: {  	[hbm4b:s12+s15] =	stream.strided.scatter [tilespmem:s15], [sflag:$0x1], $0x400, s19, s15, $0x38;
	[tilespmem:$0x2080] =	vst v63  }
0xa5: {  	s31 =	sadd.s32 $0x80, s12  }
0xa6: {  	[hbm4b:s31+s15] =	stream.strided.scatter [tilespmem:s20], [sflag:$0x1], $0x400, s19, s15, $0x38;
	[tilespmem:$0x2080] =	vst v63  }
0xa7: {  	s25 =	sadd.s32 $0x800, s12  }
0xa8: {  	[hbm4b:s25+s15] =	stream.strided.scatter [tilespmem:s16], [sflag:$0x1], $0x400, s19, s15, $0x38;
	[tilespmem:$0x2080] =	vst v63  }
0xa9: {  	s26 =	sadd.s32 $0x880, s12  }
0xaa: {  	[hbm4b:s26+s15] =	stream.strided.scatter [tilespmem:s21], [sflag:$0x1], $0x400, s19, s15, $0x38;
	[tilespmem:$0x2080] =	vst v63  }
0xab: {  	s28 =	sadd.s32 $0x1000, s12  }
0xac: {  	[hbm4b:s28+s15] =	stream.strided.scatter [tilespmem:s17], [sflag:$0x1], $0x400, s19, s15, $0x38;
	[tilespmem:$0x2080] =	vst v63  }
0xad: {  	s29 =	sadd.s32 $0x1080, s12  }
0xae: {  	[hbm4b:s29+s15] =	stream.strided.scatter [tilespmem:s22], [sflag:$0x1], $0x400, s19, s15, $0x38;
	[tilespmem:$0x2080] =	vst v63  }
0xaf: {  	s30 =	sadd.s32 $0x1800, s12  }
0xb0: {  	[hbm4b:s30+s15] =	stream.strided.scatter [tilespmem:s18], [sflag:$0x1], $0x400, s19, s15, $0x38;
	[tilespmem:$0x2080] =	vst v63  }
0xb1: {  	s31 =	sadd.s32 $0x1880, s12  }
0xb2: {  	[hbm4b:s31+s15] =	stream.strided.scatter [tilespmem:s23], [sflag:$0x1], $0x400, s19, s15, $0x38;
	[tilespmem:$0x2080] =	vst v63  }
0xb3: {  	_ =	swait.ge [sflag:s14], $0x2000  }
0xb4: {  	[sflag:s14] =	ssyncset.done $0x0  }
0xb5: {  	[sflag:s14] =	ssyncadd.s32 $0xFFFFE000  }
0xb6: {  	_ =	swait.ge [sflag:s14], $0x2000  }
0xb7: {  	[sflag:s14] =	ssyncset.done $0x0  }
0xb8: {  	[sflag:s14] =	ssyncadd.s32 $0xFFFFE000  }
0xb9: {  	_ =	swait.ge [sflag:s14], $0x2000  }
0xba: {  	[sflag:s14] =	ssyncset.done $0x0  }
0xbb: {  	[sflag:s14] =	ssyncadd.s32 $0xFFFFE000  }
0xbc: {  	_ =	swait.ge [sflag:s14], $0x2000  }
0xbd: {  	[sflag:s14] =	ssyncset.done $0x0  }
0xbe: {  	[sflag:s14] =	ssyncadd.s32 $0xFFFFE000  }
0xbf: {  	_ =	swait.ge [sflag:s14], $0x2000  }
0xc0: {  	[sflag:s14] =	ssyncset.done $0x0  }
0xc1: {  	[sflag:s14] =	ssyncadd.s32 $0xFFFFE000  }
0xc2: {  	_ =	swait.ge [sflag:s14], $0x2000  }
0xc3: {  	[sflag:s14] =	ssyncset.done $0x0  }
0xc4: {  	[sflag:s14] =	ssyncadd.s32 $0xFFFFE000  }
0xc5: {  	p0 =	sne.s32 s13, $0x1;
	_ =	swait.ge [sflag:s14], $0x2000  }
.Ltmp0:
0xc6: {  	[sflag:s14] =	ssyncset.done $0x0;
	(pc) =	sbr.rel @p0 .LBB2_1-.Ltmp0, $4  }
0xc7: {  	[sflag:s14] =	ssyncadd.s32 $0xFFFFE000  }
0xc8: {  	_ =	swait.ge [sflag:s14], $0x2000  }
0xc9: {  	[sflag:s14] =	ssyncset.done $0x0  }
0xca: {  	s13 =	sadd.s32 $0xFFFFFFFF, s13;
	[sflag:s14] =	ssyncadd.s32 $0xFFFFE000  }
0xcb: {  	_ =	sfence.sel $0x180000  }
0xcc: {  	[bflag:$0x0] =	sbarrier.arrive $0xFFFF  }
0xcd: {  	p0 =	sne.s32 s2, $0x0;
	_ =	strace $0x90000047  }
0xce: {  	s0 =	sadd.s32 @!p0 $0x100000, s0;
	[bflag:$0x2] =	sbarrier.arrive $0xFFFF  }
0xcf: {  	[sflag:s0] =	ssyncadd.tile.s32 @!p0 $0x1;
	_ =	shalt  }
.Lfunc_end2:
_tile_overlayer_lowered:
.L_overlay_start_2:
0xd0: {  	(tag) =	ssettag $0x2  }
0xd1: {  	s0 =	rddreg [dreg:$0x0];
	s2 =	stileid.u32  }
0xd2: {  	s1 =	rddreg [dreg:$0x1];
	p0 =	sne.s32 s2, $0x0  }
0xd3: {  	s3 =	rddreg [dreg:$0x2];
	[bflag:$0x3] =	sbarrier.arrive $0xFFFF;
	s2 =	simm.s32 @!p0 $0x1C02  }
0xd4: {  	[timem:s3], [sflag:s2] =	dma.local @!p0 [hbm:s0], s1  }
0xd5: {  	s0 =	simm.s32 @!p0 $0x2  }
0xd6: {  	_ =	swait.ge @!p0 [sflag:s0], s1  }
0xd7: {  	s1 =	ssub.s32 @!p0 $0x0, s1;
	[sflag:s0] =	ssyncset.done @!p0 $0x0  }
0xd8: {  	[sflag:s0] =	ssyncadd.s32 @!p0 s1  }
0xd9: {  	[bflag:$0x3] =	sbarrier.arrive $0xFFFF  }
0xda: {  	_ =	shalt  }

</sc_bundles>
